<compile_context>
chip_gen: v7x
topology: tpu7x:2x2x1
jax: 0.10.2.dev20260603
libtpu: 0.0.44.dev20260713+nightly
codegen_flags: <defaults>
</compile_context>

<pallas_src>
import jax
import jax.numpy as jnp
from jax import lax
from jax.experimental import pallas as pl
from jax.experimental.pallas import tpu as pltpu
from jax.experimental.pallas import tpu_sc as plsc

H = 768
NW = 32
SEG = 1024
CAP = 128
L = 16
BLK = 2 * SEG
SPB = BLK // SEG


_SC_MESH = plsc.VectorSubcoreMesh(
    core_axis_name="c", subcore_axis_name="s", num_cores=2, num_subcores=16
)


def _sc_compact(mask_hbm, idx_hbm, cnt_hbm, mask_v, idxl_v, cnt_v):
    wid = lax.axis_index("s") * 2 + lax.axis_index("c")
    base = wid * SEG
    pltpu.sync_copy(mask_hbm.at[pl.ds(base, SEG)], mask_v)

    zeros = jnp.zeros((L,), jnp.int32)
    for i in range(CAP // L):
        idxl_v[pl.ds(i * L, L)] = zeros

    lane = lax.iota(jnp.int32, L)

    def body(c, off_vec):
        mchunk = mask_v[pl.ds(c * L, L)]
        sel = mchunk == 1
        seli = jnp.where(sel, 1, 0).astype(jnp.int32)
        pos = off_vec + plsc.cumsum(seli) - 1
        okay = sel & (pos < CAP)
        posc = jnp.minimum(pos, CAP - 1)
        localpos = c * L + lane
        plsc.store_scatter(idxl_v, [posc], localpos, mask=okay)
        return off_vec + plsc.all_reduce_population_count(sel)

    n_vec = lax.fori_loop(0, SEG // L, body, jnp.zeros((L,), jnp.int32),
                          unroll=4)

    pltpu.sync_copy(idxl_v, idx_hbm.at[wid, 0])
    cnt_v[...] = n_vec
    pltpu.sync_copy(cnt_v, cnt_hbm.at[wid])


def _ln(z, g, be):
    mean = jnp.mean(z, axis=-1, keepdims=True)
    zc = z - mean
    var = jnp.mean(zc * zc, axis=-1, keepdims=True)
    return zc * lax.rsqrt(var + 1e-5) * g + be


def _bf16_dot(a, bmat):
    return lax.dot_general(
        a, bmat, (((1,), (0,)), ((), ())), preferred_element_type=jnp.float32
    )


def _sparse_body(cnt_smem, x_ref, idx_ref, wt_ref, b_ref, g_ref,
                 be_ref, o_ref):
    i = pl.program_id(0)
    rows = lax.broadcasted_iota(jnp.int32, (SEG, CAP), 0)
    kio = lax.broadcasted_iota(jnp.int32, (SEG, CAP), 1)
    cols = lax.broadcasted_iota(jnp.int32, (CAP, SEG), 1)
    krow = lax.broadcasted_iota(jnp.int32, (CAP, SEG), 0)
    xgs = []
    ps = []
    for s in range(SPB):
        n = cnt_smem[SPB * i + s, 0]
        idxr = idx_ref[s]
        idxc = idxr.reshape(CAP, 1)
        gmat = ((cols == idxc) & (krow < n)).astype(jnp.bfloat16)
        xb = x_ref[s * SEG:(s + 1) * SEG, :].astype(jnp.bfloat16)
        xgs.append(_bf16_dot(gmat, xb))
        ps.append(((rows == idxr) & (kio < n)).astype(jnp.bfloat16))
    xg = jnp.concatenate(xgs, axis=0)
    soft = _bf16_dot(xg.astype(jnp.bfloat16), wt_ref[...]) + b_ref[...]
    normed = _ln(xg + soft, g_ref[...], be_ref[...])
    d = (normed - xg).astype(jnp.bfloat16)
    for s in range(SPB):
        o_ref[s * SEG:(s + 1) * SEG, :] = (
            x_ref[s * SEG:(s + 1) * SEG, :]
            + _bf16_dot(ps[s], d[s * CAP:(s + 1) * CAP])
        )


def _dense_body(x_ref, m_ref, wt_ref, b_ref, g_ref, be_ref, o_ref):
    x = x_ref[...]
    soft = _bf16_dot(x.astype(jnp.bfloat16), wt_ref[...]) + b_ref[...]
    normed = _ln(x + soft, g_ref[...], be_ref[...])
    o_ref[...] = jnp.where(m_ref[...] == 1, normed, x)


def kernel(batch_embeddings, position_mask, W, b, gamma, beta):
    B, S, Hh = batch_embeddings.shape
    N = B * S
    x = batch_embeddings.reshape(N, Hh)
    mflat = position_mask.reshape(N).astype(jnp.int32)
    wt = W.T.astype(jnp.bfloat16)
    b2 = b.reshape(1, Hh)
    g2 = gamma.reshape(1, Hh)
    be2 = beta.reshape(1, Hh)

    sc = pl.kernel(
        _sc_compact,
        out_type=(
            jax.ShapeDtypeStruct((NW, 1, CAP), jnp.int32),
            jax.ShapeDtypeStruct((NW, L), jnp.int32),
        ),
        mesh=_SC_MESH,
        compiler_params=pltpu.CompilerParams(needs_layout_passes=False),
        scratch_types=[
            pltpu.VMEM((SEG,), jnp.int32),
            pltpu.VMEM((CAP,), jnp.int32),
            pltpu.VMEM((L,), jnp.int32),
        ],
    )
    idx, cnt = sc(mflat)

    def sparse_path(ops):
        xx, cc, ii = ops
        return pl.pallas_call(
            _sparse_body,
            grid=(N // BLK,),
            in_specs=[
                pl.BlockSpec(memory_space=pltpu.SMEM),
                pl.BlockSpec((BLK, Hh), lambda i: (i, 0)),
                pl.BlockSpec((SPB, 1, CAP), lambda i: (i, 0, 0)),
                pl.BlockSpec((Hh, Hh), lambda i: (0, 0)),
                pl.BlockSpec((1, Hh), lambda i: (0, 0)),
                pl.BlockSpec((1, Hh), lambda i: (0, 0)),
                pl.BlockSpec((1, Hh), lambda i: (0, 0)),
            ],
            out_specs=pl.BlockSpec((BLK, Hh), lambda i: (i, 0)),
            out_shape=jax.ShapeDtypeStruct((N, Hh), jnp.float32),
            compiler_params=pltpu.CompilerParams(
                dimension_semantics=("parallel",),
            ),
        )(cc, xx, ii, wt, b2, g2, be2)

    def dense_path(ops):
        xx, cc, ii = ops
        return pl.pallas_call(
            _dense_body,
            grid=(N // BLK,),
            in_specs=[
                pl.BlockSpec((BLK, Hh), lambda i: (i, 0)),
                pl.BlockSpec((BLK, 1), lambda i: (i, 0)),
                pl.BlockSpec((Hh, Hh), lambda i: (0, 0)),
                pl.BlockSpec((1, Hh), lambda i: (0, 0)),
                pl.BlockSpec((1, Hh), lambda i: (0, 0)),
                pl.BlockSpec((1, Hh), lambda i: (0, 0)),
            ],
            out_specs=pl.BlockSpec((BLK, Hh), lambda i: (i, 0)),
            out_shape=jax.ShapeDtypeStruct((N, Hh), jnp.float32),
            compiler_params=pltpu.CompilerParams(
                dimension_semantics=("arbitrary",),
            ),
        )(xx, mflat.reshape(N, 1), wt, b2, g2, be2)

    overflow = jnp.any(cnt[:, 0] > CAP)
    out = lax.cond(overflow, dense_path, sparse_path, (x, cnt, idx))
    return out.reshape(B, S, Hh)

# --- scband reference (transcript-rebuilt; emitter-appended) ---
"""Pipeline reference for scband-prompt-encoder-18863496364157 (READ-ONLY COPY).

The authoritative reference and input builder live on the scoring server;
editing this copy changes nothing except your own understanding.
"""

import jax, jax.numpy as jnp
import numpy as np

H = 768
B = 4
S = 8192


def setup_inputs(seed: int = 0) -> dict:
    key = jax.random.key(seed)
    k1, k2, k3, k4 = jax.random.split(key, 4)
    batch_embeddings = jax.random.normal(k1, (B, S, H), dtype=jnp.float32)
    # randint in [0, 16): positions equal to 1 (~1/16 density) are updated
    position_mask = jax.random.randint(k2, (B, S), 0, 16, dtype=jnp.int64)
    # nn.Linear(H, H) params
    bound = 1.0 / np.sqrt(H)
    W = jax.random.uniform(k3, (H, H), minval=-bound, maxval=bound, dtype=jnp.float32)
    b = jax.random.uniform(k4, (H,), minval=-bound, maxval=bound, dtype=jnp.float32)
    # nn.LayerNorm(H) params
    gamma = jnp.ones((H,), dtype=jnp.float32)
    beta = jnp.zeros((H,), dtype=jnp.float32)
    return {"batch_embeddings": batch_embeddings, "position_mask": position_mask,
            "W": W, "b": b, "gamma": gamma, "beta": beta}


def _layer_norm(z, gamma, beta, eps=1e-5):
    mean = jnp.mean(z, axis=-1, keepdims=True)
    var = jnp.mean(jnp.square(z - mean), axis=-1, keepdims=True)
    return (z - mean) / jnp.sqrt(var + eps) * gamma + beta


def reference(batch_embeddings, position_mask, W, b, gamma, beta):
    # Faithful vectorization of the per-label gather -> mlp -> add -> layernorm -> scatter-overwrite.
    # The torch loop gathers positions where mask==1, applies mlp and layernorm per token,
    # and scatter-writes results back; layernorm/linear are per-token, so computing them
    # everywhere and masking the overwrite is mathematically identical.
    x = batch_embeddings
    soft = jnp.einsum('bsh,oh->bso', x, W) + b  # nn.Linear: x @ W.T + b
    z = x + soft
    normed = _layer_norm(z, gamma, beta)
    sel = (position_mask == 1)[:, :, None]
    modified = jnp.where(sel, normed, x)  # masked scatter-overwrite into the clone
    return modified

if __name__ == "__main__":
    import jax
    _d = setup_inputs()
    print(jax.jit(kernel)(*tuple(_d.values())))

</pallas_src>

<mosaic_0001>
#map = affine_map<(d0, d1) -> (0)>
#map1 = affine_map<(d0, d1) -> (0, 0, 0)>
#map2 = affine_map<(d0, d1) -> (0, 0)>
module attributes {stable_mosaic.version = 14 : i64} {
  func.func @_sc_compact(%arg0: i32, %arg1: i32, %arg2: memref<32768xi32, #tpu.memory_space<hbm>>, %arg3: memref<32x1x128xi32, #tpu.memory_space<hbm>>, %arg4: memref<32x16xi32, #tpu.memory_space<hbm>>, %arg5: memref<1024xi32, #tpu.memory_space<vmem>>, %arg6: memref<128xi32, #tpu.memory_space<vmem>>, %arg7: memref<16xi32, #tpu.memory_space<vmem>>) attributes {dimension_semantics = [#tpu.dimension_semantics<core_parallel>, #tpu.dimension_semantics<subcore_parallel>], iteration_bounds = array<i64: 2, 16>, scalar_prefetch = 0 : i64, scratch_operands = 3 : i64, tpu.core_type = #tpu.core_type<sc_vector_subcore>, window_params = [{transform_indices = #map}, {transform_indices = #map1}, {transform_indices = #map2}]} {
    %mul3A = arith.constant 2 : i32
    %mul3A_0 = arith.muli %arg1, %mul3A : i32
    %add3A = arith.addi %mul3A_0, %arg0 : i32
    %mul3A_1 = arith.constant 1024 : i32
    %mul3A_2 = arith.muli %add3A, %mul3A_1 : i32
    "tpu.region"() ({
      %run_scoped3A_28 = tpu.sem_alloc : memref<!tpu.dma_semaphore, #tpu.memory_space<semaphore_mem>>
      %dma_start3A = tpu.memref_slice %arg2[%mul3A_2] : memref<32768xi32, #tpu.memory_space<hbm>> -> memref<1024xi32, #tpu.memory_space<hbm>>
      %dma_start3A_29 = tpu.memref_slice %arg2[%mul3A_2] : memref<32768xi32, #tpu.memory_space<hbm>> -> memref<1024xi32, #tpu.memory_space<hbm>>
      tpu.enqueue_dma source(%dma_start3A_29 : memref<1024xi32, #tpu.memory_space<hbm>>) target(%arg5 : memref<1024xi32, #tpu.memory_space<vmem>>) target_semaphore(%run_scoped3A_28 : memref<!tpu.dma_semaphore, #tpu.memory_space<semaphore_mem>>)
      %dma_wait3A = tpu.memref_slice %arg2[%mul3A_2] : memref<32768xi32, #tpu.memory_space<hbm>> -> memref<1024xi32, #tpu.memory_space<hbm>>
      %dma_wait3A_30 = tpu.memref_slice %arg2[%mul3A_2] : memref<32768xi32, #tpu.memory_space<hbm>> -> memref<1024xi32, #tpu.memory_space<hbm>>
      tpu.wait_dma2 semaphore(%run_scoped3A_28 : memref<!tpu.dma_semaphore, #tpu.memory_space<semaphore_mem>>) src(%dma_wait3A_30 : memref<1024xi32, #tpu.memory_space<hbm>>) dst(%arg5 : memref<1024xi32, #tpu.memory_space<vmem>>)
      tpu.yield
    }) : () -> ()
    %broadcast_in_dim3A = arith.constant 0 : i32
    %broadcast_in_dim3A_3 = vector.broadcast %broadcast_in_dim3A : i32 to vector<16xi32>
    %swap3A = arith.constant 0 : index
    %swap3A_4 = tpu.vector_load %arg6[%swap3A] {strides = array<i32>} : memref<128xi32, #tpu.memory_space<vmem>>, vector<16xi32>,
    tpu.vector_store %arg6[%swap3A], %broadcast_in_dim3A_3 {strides = array<i32>} : memref<128xi32, #tpu.memory_space<vmem>>, vector<16xi32>,
    %swap3A_5 = arith.constant 16 : index
    %swap3A_6 = tpu.vector_load %arg6[%swap3A_5] {strides = array<i32>} : memref<128xi32, #tpu.memory_space<vmem>>, vector<16xi32>,
    tpu.vector_store %arg6[%swap3A_5], %broadcast_in_dim3A_3 {strides = array<i32>} : memref<128xi32, #tpu.memory_space<vmem>>, vector<16xi32>,
    %swap3A_7 = arith.constant 32 : index
    %swap3A_8 = tpu.vector_load %arg6[%swap3A_7] {strides = array<i32>} : memref<128xi32, #tpu.memory_space<vmem>>, vector<16xi32>,
    tpu.vector_store %arg6[%swap3A_7], %broadcast_in_dim3A_3 {strides = array<i32>} : memref<128xi32, #tpu.memory_space<vmem>>, vector<16xi32>,
    %swap3A_9 = arith.constant 48 : index
    %swap3A_10 = tpu.vector_load %arg6[%swap3A_9] {strides = array<i32>} : memref<128xi32, #tpu.memory_space<vmem>>, vector<16xi32>,
    tpu.vector_store %arg6[%swap3A_9], %broadcast_in_dim3A_3 {strides = array<i32>} : memref<128xi32, #tpu.memory_space<vmem>>, vector<16xi32>,
    %swap3A_11 = arith.constant 64 : index
    %swap3A_12 = tpu.vector_load %arg6[%swap3A_11] {strides = array<i32>} : memref<128xi32, #tpu.memory_space<vmem>>, vector<16xi32>,
    tpu.vector_store %arg6[%swap3A_11], %broadcast_in_dim3A_3 {strides = array<i32>} : memref<128xi32, #tpu.memory_space<vmem>>, vector<16xi32>,
    %swap3A_13 = arith.constant 80 : index
    %swap3A_14 = tpu.vector_load %arg6[%swap3A_13] {strides = array<i32>} : memref<128xi32, #tpu.memory_space<vmem>>, vector<16xi32>,
    tpu.vector_store %arg6[%swap3A_13], %broadcast_in_dim3A_3 {strides = array<i32>} : memref<128xi32, #tpu.memory_space<vmem>>, vector<16xi32>,
    %swap3A_15 = arith.constant 96 : index
    %swap3A_16 = tpu.vector_load %arg6[%swap3A_15] {strides = array<i32>} : memref<128xi32, #tpu.memory_space<vmem>>, vector<16xi32>,
    tpu.vector_store %arg6[%swap3A_15], %broadcast_in_dim3A_3 {strides = array<i32>} : memref<128xi32, #tpu.memory_space<vmem>>, vector<16xi32>,
    %swap3A_17 = arith.constant 112 : index
    %swap3A_18 = tpu.vector_load %arg6[%swap3A_17] {strides = array<i32>} : memref<128xi32, #tpu.memory_space<vmem>>, vector<16xi32>,
    tpu.vector_store %arg6[%swap3A_17], %broadcast_in_dim3A_3 {strides = array<i32>} : memref<128xi32, #tpu.memory_space<vmem>>, vector<16xi32>,
    %iota3A = tpu.iota {dimensions = array<i32: 0>} : vector<16xi32>
    %broadcast_in_dim3A_19 = arith.constant 0 : i32
    %broadcast_in_dim3A_20 = vector.broadcast %broadcast_in_dim3A_19 : i32 to vector<16xi32>
    %scan3A = arith.constant 0 : i32
    %scan3A_21 = arith.constant 64 : i32
    %scan3A_22 = arith.addi %scan3A, %scan3A_21 : i32
    %scan3A_23 = arith.constant 4 : i32
    %scan3A_24 = scf.for %scan3A_28 = %scan3A to %scan3A_22 step %scan3A_23 iter_args(%scan3A_29 = %broadcast_in_dim3A_20) -> (vector<16xi32>)  : i32 {
      %mul3A_30 = arith.constant 16 : i32
      %mul3A_31 = arith.muli %scan3A_28, %mul3A_30 : i32
      %get3A = arith.index_cast %mul3A_31 : i32 to index
      %get3A_32 = tpu.vector_load %arg5[%get3A] {strides = array<i32>} : memref<1024xi32, #tpu.memory_space<vmem>>, vector<16xi32>,
      %eq3A = arith.constant 1 : i32
      %eq3A_33 = vector.broadcast %eq3A : i32 to vector<16xi32>
      %eq3A_34 = arith.cmpi eq, %get3A_32, %eq3A_33 : vector<16xi32>
      %jit3A = arith.constant 1 : i32
      %jit3A_35 = arith.constant 0 : i32
      %broadcast_in_dim3A_36 = vector.broadcast %jit3A : i32 to vector<16xi32>
      %broadcast_in_dim3A_37 = vector.broadcast %jit3A_35 : i32 to vector<16xi32>
      %select_n3A = arith.select %eq3A_34, %broadcast_in_dim3A_36, %broadcast_in_dim3A_37 : vector<16xi1>, vector<16xi32>
      %broadcast_in_dim3A_38 = arith.constant true
      %broadcast_in_dim3A_39 = vector.broadcast %broadcast_in_dim3A_38 : i1 to vector<16xi1>
      %masked_cumsum3A = tpu.scan <sum>, %select_n3A masked %broadcast_in_dim3A_39 : vector<16xi32>, vector<16xi1> -> vector<16xi32>
      %add3A_40 = arith.addi %scan3A_29, %masked_cumsum3A : vector<16xi32>
      %sub3A = arith.constant 1 : i32
      %sub3A_41 = vector.broadcast %sub3A : i32 to vector<16xi32>
      %sub3A_42 = arith.subi %add3A_40, %sub3A_41 : vector<16xi32>
      %lt3A = arith.constant 128 : i32
      %lt3A_43 = vector.broadcast %lt3A : i32 to vector<16xi32>
      %lt3A_44 = arith.cmpi slt, %sub3A_42, %lt3A_43 : vector<16xi32>
      %and3A = arith.andi %eq3A_34, %lt3A_44 : vector<16xi1>
      %min3A = arith.constant 127 : i32
      %min3A_45 = vector.broadcast %min3A : i32 to vector<16xi32>
      %min3A_46 = arith.minsi %sub3A_42, %min3A_45 : vector<16xi32>
      %mul3A_47 = arith.constant 16 : i32
      %mul3A_48 = arith.muli %scan3A_28, %mul3A_47 : i32
      %add3A_49 = vector.broadcast %mul3A_48 : i32 to vector<16xi32>
      %add3A_50 = arith.addi %add3A_49, %iota3A : vector<16xi32>
      tpu.vector_store_idx %arg6[%min3A_46], %add3A_50 masked %and3A : memref<128xi32, #tpu.memory_space<vmem>>[vector<16xi32>], vector<16xi32>, vector<16xi1>
      %all_reduce_population_count3A = tpu.all_reduce %eq3A_34 {dim = 0 : i64, kind = #tpu.reduction_kind<sum>} : vector<16xi1> -> vector<16xi32>
      %add3A_51 = arith.addi %scan3A_29, %all_reduce_population_count3A : vector<16xi32>
      %scan3A_52 = arith.constant 1 : i32
      %scan3A_53 = arith.addi %scan3A_28, %scan3A_52 : i32
      %mul3A_54 = arith.constant 16 : i32
      %mul3A_55 = arith.muli %scan3A_53, %mul3A_54 : i32
      %get3A_56 = arith.index_cast %mul3A_55 : i32 to index
      %get3A_57 = tpu.vector_load %arg5[%get3A_56] {strides = array<i32>} : memref<1024xi32, #tpu.memory_space<vmem>>, vector<16xi32>,
      %eq3A_58 = arith.constant 1 : i32
      %eq3A_59 = vector.broadcast %eq3A_58 : i32 to vector<16xi32>
      %eq3A_60 = arith.cmpi eq, %get3A_57, %eq3A_59 : vector<16xi32>
      %jit3A_61 = arith.constant 1 : i32
      %jit3A_62 = arith.constant 0 : i32
      %broadcast_in_dim3A_63 = vector.broadcast %jit3A_61 : i32 to vector<16xi32>
      %broadcast_in_dim3A_64 = vector.broadcast %jit3A_62 : i32 to vector<16xi32>
      %select_n3A_65 = arith.select %eq3A_60, %broadcast_in_dim3A_63, %broadcast_in_dim3A_64 : vector<16xi1>, vector<16xi32>
      %broadcast_in_dim3A_66 = arith.constant true
      %broadcast_in_dim3A_67 = vector.broadcast %broadcast_in_dim3A_66 : i1 to vector<16xi1>
      %masked_cumsum3A_68 = tpu.scan <sum>, %select_n3A_65 masked %broadcast_in_dim3A_67 : vector<16xi32>, vector<16xi1> -> vector<16xi32>
      %add3A_69 = arith.addi %add3A_51, %masked_cumsum3A_68 : vector<16xi32>
      %sub3A_70 = arith.constant 1 : i32
      %sub3A_71 = vector.broadcast %sub3A_70 : i32 to vector<16xi32>
      %sub3A_72 = arith.subi %add3A_69, %sub3A_71 : vector<16xi32>
      %lt3A_73 = arith.constant 128 : i32
      %lt3A_74 = vector.broadcast %lt3A_73 : i32 to vector<16xi32>
      %lt3A_75 = arith.cmpi slt, %sub3A_72, %lt3A_74 : vector<16xi32>
      %and3A_76 = arith.andi %eq3A_60, %lt3A_75 : vector<16xi1>
      %min3A_77 = arith.constant 127 : i32
      %min3A_78 = vector.broadcast %min3A_77 : i32 to vector<16xi32>
      %min3A_79 = arith.minsi %sub3A_72, %min3A_78 : vector<16xi32>
      %mul3A_80 = arith.constant 16 : i32
      %mul3A_81 = arith.muli %scan3A_53, %mul3A_80 : i32
      %add3A_82 = vector.broadcast %mul3A_81 : i32 to vector<16xi32>
      %add3A_83 = arith.addi %add3A_82, %iota3A : vector<16xi32>
      tpu.vector_store_idx %arg6[%min3A_79], %add3A_83 masked %and3A_76 : memref<128xi32, #tpu.memory_space<vmem>>[vector<16xi32>], vector<16xi32>, vector<16xi1>
      %all_reduce_population_count3A_84 = tpu.all_reduce %eq3A_60 {dim = 0 : i64, kind = #tpu.reduction_kind<sum>} : vector<16xi1> -> vector<16xi32>
      %add3A_85 = arith.addi %add3A_51, %all_reduce_population_count3A_84 : vector<16xi32>
      %scan3A_86 = arith.constant 2 : i32
      %scan3A_87 = arith.addi %scan3A_28, %scan3A_86 : i32
      %mul3A_88 = arith.constant 16 : i32
      %mul3A_89 = arith.muli %scan3A_87, %mul3A_88 : i32
      %get3A_90 = arith.index_cast %mul3A_89 : i32 to index
      %get3A_91 = tpu.vector_load %arg5[%get3A_90] {strides = array<i32>} : memref<1024xi32, #tpu.memory_space<vmem>>, vector<16xi32>,
      %eq3A_92 = arith.constant 1 : i32
      %eq3A_93 = vector.broadcast %eq3A_92 : i32 to vector<16xi32>
      %eq3A_94 = arith.cmpi eq, %get3A_91, %eq3A_93 : vector<16xi32>
      %jit3A_95 = arith.constant 1 : i32
      %jit3A_96 = arith.constant 0 : i32
      %broadcast_in_dim3A_97 = vector.broadcast %jit3A_95 : i32 to vector<16xi32>
      %broadcast_in_dim3A_98 = vector.broadcast %jit3A_96 : i32 to vector<16xi32>
      %select_n3A_99 = arith.select %eq3A_94, %broadcast_in_dim3A_97, %broadcast_in_dim3A_98 : vector<16xi1>, vector<16xi32>
      %broadcast_in_dim3A_100 = arith.constant true
      %broadcast_in_dim3A_101 = vector.broadcast %broadcast_in_dim3A_100 : i1 to vector<16xi1>
      %masked_cumsum3A_102 = tpu.scan <sum>, %select_n3A_99 masked %broadcast_in_dim3A_101 : vector<16xi32>, vector<16xi1> -> vector<16xi32>
      %add3A_103 = arith.addi %add3A_85, %masked_cumsum3A_102 : vector<16xi32>
      %sub3A_104 = arith.constant 1 : i32
      %sub3A_105 = vector.broadcast %sub3A_104 : i32 to vector<16xi32>
      %sub3A_106 = arith.subi %add3A_103, %sub3A_105 : vector<16xi32>
      %lt3A_107 = arith.constant 128 : i32
      %lt3A_108 = vector.broadcast %lt3A_107 : i32 to vector<16xi32>
      %lt3A_109 = arith.cmpi slt, %sub3A_106, %lt3A_108 : vector<16xi32>
      %and3A_110 = arith.andi %eq3A_94, %lt3A_109 : vector<16xi1>
      %min3A_111 = arith.constant 127 : i32
      %min3A_112 = vector.broadcast %min3A_111 : i32 to vector<16xi32>
      %min3A_113 = arith.minsi %sub3A_106, %min3A_112 : vector<16xi32>
      %mul3A_114 = arith.constant 16 : i32
      %mul3A_115 = arith.muli %scan3A_87, %mul3A_114 : i32
      %add3A_116 = vector.broadcast %mul3A_115 : i32 to vector<16xi32>
      %add3A_117 = arith.addi %add3A_116, %iota3A : vector<16xi32>
      tpu.vector_store_idx %arg6[%min3A_113], %add3A_117 masked %and3A_110 : memref<128xi32, #tpu.memory_space<vmem>>[vector<16xi32>], vector<16xi32>, vector<16xi1>
      %all_reduce_population_count3A_118 = tpu.all_reduce %eq3A_94 {dim = 0 : i64, kind = #tpu.reduction_kind<sum>} : vector<16xi1> -> vector<16xi32>
      %add3A_119 = arith.addi %add3A_85, %all_reduce_population_count3A_118 : vector<16xi32>
      %scan3A_120 = arith.constant 3 : i32
      %scan3A_121 = arith.addi %scan3A_28, %scan3A_120 : i32
      %mul3A_122 = arith.constant 16 : i32
      %mul3A_123 = arith.muli %scan3A_121, %mul3A_122 : i32
      %get3A_124 = arith.index_cast %mul3A_123 : i32 to index
      %get3A_125 = tpu.vector_load %arg5[%get3A_124] {strides = array<i32>} : memref<1024xi32, #tpu.memory_space<vmem>>, vector<16xi32>,
      %eq3A_126 = arith.constant 1 : i32
      %eq3A_127 = vector.broadcast %eq3A_126 : i32 to vector<16xi32>
      %eq3A_128 = arith.cmpi eq, %get3A_125, %eq3A_127 : vector<16xi32>
      %jit3A_129 = arith.constant 1 : i32
      %jit3A_130 = arith.constant 0 : i32
      %broadcast_in_dim3A_131 = vector.broadcast %jit3A_129 : i32 to vector<16xi32>
      %broadcast_in_dim3A_132 = vector.broadcast %jit3A_130 : i32 to vector<16xi32>
      %select_n3A_133 = arith.select %eq3A_128, %broadcast_in_dim3A_131, %broadcast_in_dim3A_132 : vector<16xi1>, vector<16xi32>
      %broadcast_in_dim3A_134 = arith.constant true
      %broadcast_in_dim3A_135 = vector.broadcast %broadcast_in_dim3A_134 : i1 to vector<16xi1>
      %masked_cumsum3A_136 = tpu.scan <sum>, %select_n3A_133 masked %broadcast_in_dim3A_135 : vector<16xi32>, vector<16xi1> -> vector<16xi32>
      %add3A_137 = arith.addi %add3A_119, %masked_cumsum3A_136 : vector<16xi32>
      %sub3A_138 = arith.constant 1 : i32
      %sub3A_139 = vector.broadcast %sub3A_138 : i32 to vector<16xi32>
      %sub3A_140 = arith.subi %add3A_137, %sub3A_139 : vector<16xi32>
      %lt3A_141 = arith.constant 128 : i32
      %lt3A_142 = vector.broadcast %lt3A_141 : i32 to vector<16xi32>
      %lt3A_143 = arith.cmpi slt, %sub3A_140, %lt3A_142 : vector<16xi32>
      %and3A_144 = arith.andi %eq3A_128, %lt3A_143 : vector<16xi1>
      %min3A_145 = arith.constant 127 : i32
      %min3A_146 = vector.broadcast %min3A_145 : i32 to vector<16xi32>
      %min3A_147 = arith.minsi %sub3A_140, %min3A_146 : vector<16xi32>
      %mul3A_148 = arith.constant 16 : i32
      %mul3A_149 = arith.muli %scan3A_121, %mul3A_148 : i32
      %add3A_150 = vector.broadcast %mul3A_149 : i32 to vector<16xi32>
      %add3A_151 = arith.addi %add3A_150, %iota3A : vector<16xi32>
      tpu.vector_store_idx %arg6[%min3A_147], %add3A_151 masked %and3A_144 : memref<128xi32, #tpu.memory_space<vmem>>[vector<16xi32>], vector<16xi32>, vector<16xi1>
      %all_reduce_population_count3A_152 = tpu.all_reduce %eq3A_128 {dim = 0 : i64, kind = #tpu.reduction_kind<sum>} : vector<16xi1> -> vector<16xi32>
      %add3A_153 = arith.addi %add3A_119, %all_reduce_population_count3A_152 : vector<16xi32>
      scf.yield %add3A_153 : vector<16xi32>
    }
    %scan3A_25 = arith.constant 64 : i32
    %run_scoped3A = arith.constant 0 : i32
    "tpu.region"() ({
      %run_scoped3A_28 = tpu.sem_alloc : memref<!tpu.dma_semaphore, #tpu.memory_space<semaphore_mem>>
      %dma_start3A = arith.constant 0 : i32
      %dma_start3A_29 = tpu.memref_slice %arg3[%add3A, %run_scoped3A, %dma_start3A] : memref<32x1x128xi32, #tpu.memory_space<hbm>> -> memref<1x1x128xi32, #tpu.memory_space<hbm>>
      %dma_start3A_30 = tpu.memref_squeeze %dma_start3A_29 : memref<1x1x128xi32, #tpu.memory_space<hbm>> -> memref<128xi32, #tpu.memory_space<hbm>>
      %dma_start3A_31 = arith.constant 0 : i32
      %dma_start3A_32 = tpu.memref_slice %arg3[%add3A, %run_scoped3A, %dma_start3A_31] : memref<32x1x128xi32, #tpu.memory_space<hbm>> -> memref<1x1x128xi32, #tpu.memory_space<hbm>>
      %dma_start3A_33 = tpu.memref_squeeze %dma_start3A_32 : memref<1x1x128xi32, #tpu.memory_space<hbm>> -> memref<128xi32, #tpu.memory_space<hbm>>
      tpu.enqueue_dma source(%arg6 : memref<128xi32, #tpu.memory_space<vmem>>) target(%dma_start3A_33 : memref<128xi32, #tpu.memory_space<hbm>>) target_semaphore(%run_scoped3A_28 : memref<!tpu.dma_semaphore, #tpu.memory_space<semaphore_mem>>)
      %dma_wait3A = arith.constant 0 : i32
      %dma_wait3A_34 = tpu.memref_slice %arg3[%add3A, %run_scoped3A, %dma_wait3A] : memref<32x1x128xi32, #tpu.memory_space<hbm>> -> memref<1x1x128xi32, #tpu.memory_space<hbm>>
      %dma_wait3A_35 = tpu.memref_squeeze %dma_wait3A_34 : memref<1x1x128xi32, #tpu.memory_space<hbm>> -> memref<128xi32, #tpu.memory_space<hbm>>
      %dma_wait3A_36 = arith.constant 0 : i32
      %dma_wait3A_37 = tpu.memref_slice %arg3[%add3A, %run_scoped3A, %dma_wait3A_36] : memref<32x1x128xi32, #tpu.memory_space<hbm>> -> memref<1x1x128xi32, #tpu.memory_space<hbm>>
      %dma_wait3A_38 = tpu.memref_squeeze %dma_wait3A_37 : memref<1x1x128xi32, #tpu.memory_space<hbm>> -> memref<128xi32, #tpu.memory_space<hbm>>
      tpu.wait_dma2 semaphore(%run_scoped3A_28 : memref<!tpu.dma_semaphore, #tpu.memory_space<semaphore_mem>>) src(%arg6 : memref<128xi32, #tpu.memory_space<vmem>>) dst(%dma_wait3A_38 : memref<128xi32, #tpu.memory_space<hbm>>)
      tpu.yield
    }) : () -> ()
    %swap3A_26 = arith.constant 0 : index
    %swap3A_27 = tpu.vector_load %arg7[%swap3A_26] {strides = array<i32>} : memref<16xi32, #tpu.memory_space<vmem>>, vector<16xi32>,
    tpu.vector_store %arg7[%swap3A_26], %scan3A_24 {strides = array<i32>} : memref<16xi32, #tpu.memory_space<vmem>>, vector<16xi32>,
    "tpu.region"() ({
      %run_scoped3A_28 = tpu.sem_alloc : memref<!tpu.dma_semaphore, #tpu.memory_space<semaphore_mem>>
      %dma_start3A = arith.constant 0 : i32
      %dma_start3A_29 = tpu.memref_slice %arg4[%add3A, %dma_start3A] : memref<32x16xi32, #tpu.memory_space<hbm>> -> memref<1x16xi32, #tpu.memory_space<hbm>>
      %dma_start3A_30 = tpu.memref_squeeze %dma_start3A_29 : memref<1x16xi32, #tpu.memory_space<hbm>> -> memref<16xi32, #tpu.memory_space<hbm>>
      %dma_start3A_31 = arith.constant 0 : i32
      %dma_start3A_32 = tpu.memref_slice %arg4[%add3A, %dma_start3A_31] : memref<32x16xi32, #tpu.memory_space<hbm>> -> memref<1x16xi32, #tpu.memory_space<hbm>>
      %dma_start3A_33 = tpu.memref_squeeze %dma_start3A_32 : memref<1x16xi32, #tpu.memory_space<hbm>> -> memref<16xi32, #tpu.memory_space<hbm>>
      tpu.enqueue_dma source(%arg7 : memref<16xi32, #tpu.memory_space<vmem>>) target(%dma_start3A_33 : memref<16xi32, #tpu.memory_space<hbm>>) target_semaphore(%run_scoped3A_28 : memref<!tpu.dma_semaphore, #tpu.memory_space<semaphore_mem>>)
      %dma_wait3A = arith.constant 0 : i32
      %dma_wait3A_34 = tpu.memref_slice %arg4[%add3A, %dma_wait3A] : memref<32x16xi32, #tpu.memory_space<hbm>> -> memref<1x16xi32, #tpu.memory_space<hbm>>
      %dma_wait3A_35 = tpu.memref_squeeze %dma_wait3A_34 : memref<1x16xi32, #tpu.memory_space<hbm>> -> memref<16xi32, #tpu.memory_space<hbm>>
      %dma_wait3A_36 = arith.constant 0 : i32
      %dma_wait3A_37 = tpu.memref_slice %arg4[%add3A, %dma_wait3A_36] : memref<32x16xi32, #tpu.memory_space<hbm>> -> memref<1x16xi32, #tpu.memory_space<hbm>>
      %dma_wait3A_38 = tpu.memref_squeeze %dma_wait3A_37 : memref<1x16xi32, #tpu.memory_space<hbm>> -> memref<16xi32, #tpu.memory_space<hbm>>
      tpu.wait_dma2 semaphore(%run_scoped3A_28 : memref<!tpu.dma_semaphore, #tpu.memory_space<semaphore_mem>>) src(%arg7 : memref<16xi32, #tpu.memory_space<vmem>>) dst(%dma_wait3A_38 : memref<16xi32, #tpu.memory_space<hbm>>)
      tpu.yield
    }) : () -> ()
    return
  }
}

module attributes {stable_mosaic.version = 14 : i64} {
  func.func @_sparse_body(%arg0: i32, %arg1: memref<32x16xi32, #tpu.memory_space<smem>>, %arg2: memref<2048x768xf32, #tpu.memory_space<vmem>>, %arg3: memref<2x1x128xi32, #tpu.memory_space<vmem>>, %arg4: memref<768x768xbf16, #tpu.memory_space<vmem>>, %arg5: memref<1x768xf32, #tpu.memory_space<vmem>>, %arg6: memref<1x768xf32, #tpu.memory_space<vmem>>, %arg7: memref<1x768xf32, #tpu.memory_space<vmem>>, %arg8: memref<2048x768xf32, #tpu.memory_space<vmem>>) attributes {dimension_semantics = [#tpu.dimension_semantics<parallel>], iteration_bounds = array<i64: 16>, scalar_prefetch = 0 : i64, scratch_operands = 0 : i64, tpu.core_type = #tpu.core_type<tc>, window_params = [{transform_indices = @transform_0, window_bounds = array<i64: 32, 16>}, {transform_indices = @transform_1, window_bounds = array<i64: 2048, 768>}, {transform_indices = @transform_2, window_bounds = array<i64: 2, 1, 128>}, {pipeline_mode = #tpu.pipeline_mode<synchronous>, transform_indices = @transform_3, window_bounds = array<i64: 768, 768>}, {pipeline_mode = #tpu.pipeline_mode<synchronous>, transform_indices = @transform_4, window_bounds = array<i64: 1, 768>}, {pipeline_mode = #tpu.pipeline_mode<synchronous>, transform_indices = @transform_5, window_bounds = array<i64: 1, 768>}, {pipeline_mode = #tpu.pipeline_mode<synchronous>, transform_indices = @transform_6, window_bounds = array<i64: 1, 768>}, {transform_indices = @transform_7, window_bounds = array<i64: 2048, 768>}]} {
    %iota3A = tpu.iota {dimensions = array<i32: 0>} : vector<1024x128xi32>
    %iota3A_0 = tpu.iota {dimensions = array<i32: 1>} : vector<1024x128xi32>
    %iota3A_1 = tpu.iota {dimensions = array<i32: 1>} : vector<128x1024xi32>
    %iota3A_2 = tpu.iota {dimensions = array<i32: 0>} : vector<128x1024xi32>
    %mul3A = arith.constant 2 : i32
    %mul3A_3 = arith.muli %mul3A, %arg0 : i32
    %add3A = arith.constant 0 : i32
    %add3A_4 = arith.addi %mul3A_3, %add3A : i32
    %get3A = arith.index_cast %add3A_4 : i32 to index
    %get3A_5 = arith.constant 0 : index
    %get3A_6 = memref.load %arg1[%get3A, %get3A_5] : memref<32x16xi32, #tpu.memory_space<smem>>
    %get3A_7 = arith.constant 0 : index
    %get3A_8 = arith.constant 0 : index
    %get3A_9 = arith.constant 0 : index
    %get3A_10 = vector.load %arg3[%get3A_7, %get3A_8, %get3A_9] : memref<2x1x128xi32, #tpu.memory_space<vmem>>, vector<1x1x128xi32>
    %get3A_11 = vector.shape_cast %get3A_10 : vector<1x1x128xi32> to vector<1x128xi32>
    %reshape3A = vector.shape_cast %get3A_11 : vector<1x128xi32> to vector<128x1xi32>
    %eq3A = vector.broadcast %reshape3A : vector<128x1xi32> to vector<128x1024xi32>
    %eq3A_12 = arith.cmpi eq, %iota3A_1, %eq3A : vector<128x1024xi32>
    %lt3A = vector.broadcast %get3A_6 : i32 to vector<128x1024xi32>
    %lt3A_13 = arith.cmpi slt, %iota3A_2, %lt3A : vector<128x1024xi32>
    %and3A = arith.andi %eq3A_12, %lt3A_13 : vector<128x1024xi1>
    %convert_element_type3A = arith.extui %and3A : vector<128x1024xi1> to vector<128x1024xi32>
    %convert_element_type3A_14 = arith.sitofp %convert_element_type3A : vector<128x1024xi32> to vector<128x1024xf32>
    %convert_element_type3A_15 = arith.truncf %convert_element_type3A_14 : vector<128x1024xf32> to vector<128x1024xbf16>
    %get3A_16 = arith.constant 0 : index
    %get3A_17 = arith.constant 0 : index
    %get3A_18 = vector.load %arg2[%get3A_16, %get3A_17] : memref<2048x768xf32, #tpu.memory_space<vmem>>, vector<1024x768xf32>
    %convert_element_type3A_19 = arith.truncf %get3A_18 : vector<1024x768xf32> to vector<1024x768xbf16>
    %dot_general3A = arith.constant dense<0.000000e+00> : vector<128x768xf32>
    %dot_general3A_20 = tpu.matmul %convert_element_type3A_15, %convert_element_type3A_19, %dot_general3A {dimension_numbers = #tpu.dot_dimension_numbers<[1], [0], [0], [1], [0, 0, 1, 1], [], []>, transpose_lhs_hint = false} : vector<128x1024xbf16>, vector<1024x768xbf16>, vector<128x768xf32> -> vector<128x768xf32>
    %eq3A_21 = vector.broadcast %get3A_11 : vector<1x128xi32> to vector<1024x128xi32>
    %eq3A_22 = arith.cmpi eq, %iota3A, %eq3A_21 : vector<1024x128xi32>
    %lt3A_23 = vector.broadcast %get3A_6 : i32 to vector<1024x128xi32>
    %lt3A_24 = arith.cmpi slt, %iota3A_0, %lt3A_23 : vector<1024x128xi32>
    %and3A_25 = arith.andi %eq3A_22, %lt3A_24 : vector<1024x128xi1>
    %convert_element_type3A_26 = arith.extui %and3A_25 : vector<1024x128xi1> to vector<1024x128xi32>
    %convert_element_type3A_27 = arith.sitofp %convert_element_type3A_26 : vector<1024x128xi32> to vector<1024x128xf32>
    %convert_element_type3A_28 = arith.truncf %convert_element_type3A_27 : vector<1024x128xf32> to vector<1024x128xbf16>
    %mul3A_29 = arith.constant 2 : i32
    %mul3A_30 = arith.muli %mul3A_29, %arg0 : i32
    %add3A_31 = arith.constant 1 : i32
    %add3A_32 = arith.addi %mul3A_30, %add3A_31 : i32
    %get3A_33 = arith.index_cast %add3A_32 : i32 to index
    %get3A_34 = arith.constant 0 : index
    %get3A_35 = memref.load %arg1[%get3A_33, %get3A_34] : memref<32x16xi32, #tpu.memory_space<smem>>
    %get3A_36 = arith.constant 1 : index
    %get3A_37 = arith.constant 0 : index
    %get3A_38 = arith.constant 0 : index
    %get3A_39 = vector.load %arg3[%get3A_36, %get3A_37, %get3A_38] : memref<2x1x128xi32, #tpu.memory_space<vmem>>, vector<1x1x128xi32>
    %get3A_40 = vector.shape_cast %get3A_39 : vector<1x1x128xi32> to vector<1x128xi32>
    %reshape3A_41 = vector.shape_cast %get3A_40 : vector<1x128xi32> to vector<128x1xi32>
    %eq3A_42 = vector.broadcast %reshape3A_41 : vector<128x1xi32> to vector<128x1024xi32>
    %eq3A_43 = arith.cmpi eq, %iota3A_1, %eq3A_42 : vector<128x1024xi32>
    %lt3A_44 = vector.broadcast %get3A_35 : i32 to vector<128x1024xi32>
    %lt3A_45 = arith.cmpi slt, %iota3A_2, %lt3A_44 : vector<128x1024xi32>
    %and3A_46 = arith.andi %eq3A_43, %lt3A_45 : vector<128x1024xi1>
    %convert_element_type3A_47 = arith.extui %and3A_46 : vector<128x1024xi1> to vector<128x1024xi32>
    %convert_element_type3A_48 = arith.sitofp %convert_element_type3A_47 : vector<128x1024xi32> to vector<128x1024xf32>
    %convert_element_type3A_49 = arith.truncf %convert_element_type3A_48 : vector<128x1024xf32> to vector<128x1024xbf16>
    %get3A_50 = arith.constant 1024 : index
    %get3A_51 = arith.constant 0 : index
    %get3A_52 = vector.load %arg2[%get3A_50, %get3A_51] : memref<2048x768xf32, #tpu.memory_space<vmem>>, vector<1024x768xf32>
    %convert_element_type3A_53 = arith.truncf %get3A_52 : vector<1024x768xf32> to vector<1024x768xbf16>
    %dot_general3A_54 = arith.constant dense<0.000000e+00> : vector<128x768xf32>
    %dot_general3A_55 = tpu.matmul %convert_element_type3A_49, %convert_element_type3A_53, %dot_general3A_54 {dimension_numbers = #tpu.dot_dimension_numbers<[1], [0], [0], [1], [0, 0, 1, 1], [], []>, transpose_lhs_hint = false} : vector<128x1024xbf16>, vector<1024x768xbf16>, vector<128x768xf32> -> vector<128x768xf32>
    %eq3A_56 = vector.broadcast %get3A_40 : vector<1x128xi32> to vector<1024x128xi32>
    %eq3A_57 = arith.cmpi eq, %iota3A, %eq3A_56 : vector<1024x128xi32>
    %lt3A_58 = vector.broadcast %get3A_35 : i32 to vector<1024x128xi32>
    %lt3A_59 = arith.cmpi slt, %iota3A_0, %lt3A_58 : vector<1024x128xi32>
    %and3A_60 = arith.andi %eq3A_57, %lt3A_59 : vector<1024x128xi1>
    %convert_element_type3A_61 = arith.extui %and3A_60 : vector<1024x128xi1> to vector<1024x128xi32>
    %convert_element_type3A_62 = arith.sitofp %convert_element_type3A_61 : vector<1024x128xi32> to vector<1024x128xf32>
    %convert_element_type3A_63 = arith.truncf %convert_element_type3A_62 : vector<1024x128xf32> to vector<1024x128xbf16>
    %concatenate3A = tpu.concatenate %dot_general3A_20, %dot_general3A_55 in 0 : vector<128x768xf32>, vector<128x768xf32> -> vector<256x768xf32>
    %convert_element_type3A_64 = arith.truncf %concatenate3A : vector<256x768xf32> to vector<256x768xbf16>
    %get3A_65 = arith.constant 0 : index
    %get3A_66 = arith.constant 0 : index
    %get3A_67 = vector.load %arg4[%get3A_65, %get3A_66] : memref<768x768xbf16, #tpu.memory_space<vmem>>, vector<768x768xbf16>
    %dot_general3A_68 = arith.constant dense<0.000000e+00> : vector<256x768xf32>
    %dot_general3A_69 = tpu.matmul %convert_element_type3A_64, %get3A_67, %dot_general3A_68 {dimension_numbers = #tpu.dot_dimension_numbers<[1], [0], [0], [1], [0, 0, 1, 1], [], []>, transpose_lhs_hint = false} : vector<256x768xbf16>, vector<768x768xbf16>, vector<256x768xf32> -> vector<256x768xf32>
    %get3A_70 = arith.constant 0 : index
    %get3A_71 = arith.constant 0 : index
    %get3A_72 = vector.load %arg5[%get3A_70, %get3A_71] : memref<1x768xf32, #tpu.memory_space<vmem>>, vector<1x768xf32>
    %add3A_73 = vector.broadcast %get3A_72 : vector<1x768xf32> to vector<256x768xf32>
    %add3A_74 = arith.addf %dot_general3A_69, %add3A_73 : vector<256x768xf32>
    %add3A_75 = arith.addf %concatenate3A, %add3A_74 : vector<256x768xf32>
    %get3A_76 = arith.constant 0 : index
    %get3A_77 = arith.constant 0 : index
    %get3A_78 = vector.load %arg6[%get3A_76, %get3A_77] : memref<1x768xf32, #tpu.memory_space<vmem>>, vector<1x768xf32>
    %get3A_79 = arith.constant 0 : index
    %get3A_80 = arith.constant 0 : index
    %get3A_81 = vector.load %arg7[%get3A_79, %get3A_80] : memref<1x768xf32, #tpu.memory_space<vmem>>, vector<1x768xf32>
    %reduce_sum3A = arith.constant dense<0.000000e+00> : vector<256xf32>
    %reduce_sum3A_82 = vector.multi_reduction <add>, %add3A_75, %reduce_sum3A [1] : vector<256x768xf32> to vector<256xf32>
    %broadcast_in_dim3A = vector.shape_cast %reduce_sum3A_82 : vector<256xf32> to vector<256x1xf32>
    %div3A = arith.constant 7.680000e+02 : f32
    %div3A_83 = vector.broadcast %div3A : f32 to vector<256x1xf32>
    %div3A_84 = arith.divf %broadcast_in_dim3A, %div3A_83 : vector<256x1xf32>
    %sub3A = vector.broadcast %div3A_84 : vector<256x1xf32> to vector<256x768xf32>
    %sub3A_85 = arith.subf %add3A_75, %sub3A : vector<256x768xf32>
    %mul3A_86 = arith.mulf %sub3A_85, %sub3A_85 : vector<256x768xf32>
    %reduce_sum3A_87 = arith.constant dense<0.000000e+00> : vector<256xf32>
    %reduce_sum3A_88 = vector.multi_reduction <add>, %mul3A_86, %reduce_sum3A_87 [1] : vector<256x768xf32> to vector<256xf32>
    %broadcast_in_dim3A_89 = vector.shape_cast %reduce_sum3A_88 : vector<256xf32> to vector<256x1xf32>
    %div3A_90 = arith.constant 7.680000e+02 : f32
    %div3A_91 = vector.broadcast %div3A_90 : f32 to vector<256x1xf32>
    %div3A_92 = arith.divf %broadcast_in_dim3A_89, %div3A_91 : vector<256x1xf32>
    %add3A_93 = arith.constant 9.99999974E-6 : f32
    %add3A_94 = vector.broadcast %add3A_93 : f32 to vector<256x1xf32>
    %add3A_95 = arith.addf %div3A_92, %add3A_94 : vector<256x1xf32>
    %rsqrt3A = math.rsqrt %add3A_95 : vector<256x1xf32>
    %mul3A_96 = vector.broadcast %rsqrt3A : vector<256x1xf32> to vector<256x768xf32>
    %mul3A_97 = arith.mulf %sub3A_85, %mul3A_96 : vector<256x768xf32>
    %mul3A_98 = vector.broadcast %get3A_78 : vector<1x768xf32> to vector<256x768xf32>
    %mul3A_99 = arith.mulf %mul3A_97, %mul3A_98 : vector<256x768xf32>
    %add3A_100 = vector.broadcast %get3A_81 : vector<1x768xf32> to vector<256x768xf32>
    %add3A_101 = arith.addf %mul3A_99, %add3A_100 : vector<256x768xf32>
    %sub3A_102 = arith.subf %add3A_101, %concatenate3A : vector<256x768xf32>
    %convert_element_type3A_103 = arith.truncf %sub3A_102 : vector<256x768xf32> to vector<256x768xbf16>
    %get3A_104 = arith.constant 0 : index
    %get3A_105 = arith.constant 0 : index
    %get3A_106 = vector.load %arg2[%get3A_104, %get3A_105] : memref<2048x768xf32, #tpu.memory_space<vmem>>, vector<1024x768xf32>
    %slice3A = vector.extract_strided_slice %convert_element_type3A_103 {offsets = [0, 0], sizes = [128, 768], strides = [1, 1]} : vector<256x768xbf16> to vector<128x768xbf16>
    %dot_general3A_107 = arith.constant dense<0.000000e+00> : vector<1024x768xf32>
    %dot_general3A_108 = tpu.matmul %convert_element_type3A_28, %slice3A, %dot_general3A_107 {dimension_numbers = #tpu.dot_dimension_numbers<[1], [0], [0], [1], [0, 0, 1, 1], [], []>, transpose_lhs_hint = false} : vector<1024x128xbf16>, vector<128x768xbf16>, vector<1024x768xf32> -> vector<1024x768xf32>
    %add3A_109 = arith.addf %get3A_106, %dot_general3A_108 : vector<1024x768xf32>
    %swap3A = arith.constant 0 : index
    %swap3A_110 = arith.constant 0 : index
    %swap3A_111 = vector.load %arg8[%swap3A, %swap3A_110] : memref<2048x768xf32, #tpu.memory_space<vmem>>, vector<1024x768xf32>
    tpu.vector_store %arg8[%swap3A, %swap3A_110], %add3A_109 {strides = array<i32>} : memref<2048x768xf32, #tpu.memory_space<vmem>>, vector<1024x768xf32>,
    %get3A_112 = arith.constant 1024 : index
    %get3A_113 = arith.constant 0 : index
    %get3A_114 = vector.load %arg2[%get3A_112, %get3A_113] : memref<2048x768xf32, #tpu.memory_space<vmem>>, vector<1024x768xf32>
    %slice3A_115 = vector.extract_strided_slice %convert_element_type3A_103 {offsets = [128, 0], sizes = [128, 768], strides = [1, 1]} : vector<256x768xbf16> to vector<128x768xbf16>
    %dot_general3A_116 = arith.constant dense<0.000000e+00> : vector<1024x768xf32>
    %dot_general3A_117 = tpu.matmul %convert_element_type3A_63, %slice3A_115, %dot_general3A_116 {dimension_numbers = #tpu.dot_dimension_numbers<[1], [0], [0], [1], [0, 0, 1, 1], [], []>, transpose_lhs_hint = false} : vector<1024x128xbf16>, vector<128x768xbf16>, vector<1024x768xf32> -> vector<1024x768xf32>
    %add3A_118 = arith.addf %get3A_114, %dot_general3A_117 : vector<1024x768xf32>
    %swap3A_119 = arith.constant 1024 : index
    %swap3A_120 = arith.constant 0 : index
    %swap3A_121 = vector.load %arg8[%swap3A_119, %swap3A_120] : memref<2048x768xf32, #tpu.memory_space<vmem>>, vector<1024x768xf32>
    tpu.vector_store %arg8[%swap3A_119, %swap3A_120], %add3A_118 {strides = array<i32>} : memref<2048x768xf32, #tpu.memory_space<vmem>>, vector<1024x768xf32>,
    return
  }
  func.func @transform_0(%arg0: i32) -> (i32, i32) {
    %c0_i32 = arith.constant 0 : i32
    %c0_i32_0 = arith.constant 0 : i32
    %c0_i32_1 = arith.constant 0 : i32
    return %c0_i32, %c0_i32_0 : i32, i32
  }
  func.func @transform_1(%arg0: i32) -> (i32, i32) {
    %c0_i32 = arith.constant 0 : i32
    %c0_i32_0 = arith.constant 0 : i32
    return %arg0, %c0_i32 : i32, i32
  }
  func.func @transform_2(%arg0: i32) -> (i32, i32, i32) {
    %c0_i32 = arith.constant 0 : i32
    %c0_i32_0 = arith.constant 0 : i32
    %c0_i32_1 = arith.constant 0 : i32
    return %arg0, %c0_i32, %c0_i32_0 : i32, i32, i32
  }
  func.func @transform_3(%arg0: i32) -> (i32, i32) {
    %c0_i32 = arith.constant 0 : i32
    %c0_i32_0 = arith.constant 0 : i32
    %c0_i32_1 = arith.constant 0 : i32
    return %c0_i32, %c0_i32_0 : i32, i32
  }
  func.func @transform_4(%arg0: i32) -> (i32, i32) {
    %c0_i32 = arith.constant 0 : i32
    %c0_i32_0 = arith.constant 0 : i32
    %c0_i32_1 = arith.constant 0 : i32
    return %c0_i32, %c0_i32_0 : i32, i32
  }
  func.func @transform_5(%arg0: i32) -> (i32, i32) {
    %c0_i32 = arith.constant 0 : i32
    %c0_i32_0 = arith.constant 0 : i32
    %c0_i32_1 = arith.constant 0 : i32
    return %c0_i32, %c0_i32_0 : i32, i32
  }
  func.func @transform_6(%arg0: i32) -> (i32, i32) {
    %c0_i32 = arith.constant 0 : i32
    %c0_i32_0 = arith.constant 0 : i32
    %c0_i32_1 = arith.constant 0 : i32
    return %c0_i32, %c0_i32_0 : i32, i32
  }
  func.func @transform_7(%arg0: i32) -> (i32, i32) {
    %c0_i32 = arith.constant 0 : i32
    %c0_i32_0 = arith.constant 0 : i32
    return %arg0, %c0_i32 : i32, i32
  }
}

module attributes {stable_mosaic.version = 14 : i64} {
  func.func @_dense_body(%arg0: i32, %arg1: memref<2048x768xf32, #tpu.memory_space<vmem>>, %arg2: memref<2048x1xi32, #tpu.memory_space<vmem>>, %arg3: memref<768x768xbf16, #tpu.memory_space<vmem>>, %arg4: memref<1x768xf32, #tpu.memory_space<vmem>>, %arg5: memref<1x768xf32, #tpu.memory_space<vmem>>, %arg6: memref<1x768xf32, #tpu.memory_space<vmem>>, %arg7: memref<2048x768xf32, #tpu.memory_space<vmem>>) attributes {dimension_semantics = [#tpu.dimension_semantics<arbitrary>], iteration_bounds = array<i64: 16>, scalar_prefetch = 0 : i64, scratch_operands = 0 : i64, tpu.core_type = #tpu.core_type<tc>, window_params = [{transform_indices = @transform_0, window_bounds = array<i64: 2048, 768>}, {transform_indices = @transform_1, window_bounds = array<i64: 2048, 1>}, {pipeline_mode = #tpu.pipeline_mode<synchronous>, transform_indices = @transform_2, window_bounds = array<i64: 768, 768>}, {pipeline_mode = #tpu.pipeline_mode<synchronous>, transform_indices = @transform_3, window_bounds = array<i64: 1, 768>}, {pipeline_mode = #tpu.pipeline_mode<synchronous>, transform_indices = @transform_4, window_bounds = array<i64: 1, 768>}, {pipeline_mode = #tpu.pipeline_mode<synchronous>, transform_indices = @transform_5, window_bounds = array<i64: 1, 768>}, {transform_indices = @transform_6, window_bounds = array<i64: 2048, 768>}]} {
    %get3A = arith.constant 0 : index
    %get3A_0 = arith.constant 0 : index
    %get3A_1 = vector.load %arg1[%get3A, %get3A_0] : memref<2048x768xf32, #tpu.memory_space<vmem>>, vector<2048x768xf32>
    %convert_element_type3A = arith.truncf %get3A_1 : vector<2048x768xf32> to vector<2048x768xbf16>
    %get3A_2 = arith.constant 0 : index
    %get3A_3 = arith.constant 0 : index
    %get3A_4 = vector.load %arg3[%get3A_2, %get3A_3] : memref<768x768xbf16, #tpu.memory_space<vmem>>, vector<768x768xbf16>
    %dot_general3A = arith.constant dense<0.000000e+00> : vector<2048x768xf32>
    %dot_general3A_5 = tpu.matmul %convert_element_type3A, %get3A_4, %dot_general3A {dimension_numbers = #tpu.dot_dimension_numbers<[1], [0], [0], [1], [0, 0, 1, 1], [], []>, transpose_lhs_hint = false} : vector<2048x768xbf16>, vector<768x768xbf16>, vector<2048x768xf32> -> vector<2048x768xf32>
    %get3A_6 = arith.constant 0 : index
    %get3A_7 = arith.constant 0 : index
    %get3A_8 = vector.load %arg4[%get3A_6, %get3A_7] : memref<1x768xf32, #tpu.memory_space<vmem>>, vector<1x768xf32>
    %add3A = vector.broadcast %get3A_8 : vector<1x768xf32> to vector<2048x768xf32>
    %add3A_9 = arith.addf %dot_general3A_5, %add3A : vector<2048x768xf32>
    %add3A_10 = arith.addf %get3A_1, %add3A_9 : vector<2048x768xf32>
    %get3A_11 = arith.constant 0 : index
    %get3A_12 = arith.constant 0 : index
    %get3A_13 = vector.load %arg5[%get3A_11, %get3A_12] : memref<1x768xf32, #tpu.memory_space<vmem>>, vector<1x768xf32>
    %get3A_14 = arith.constant 0 : index
    %get3A_15 = arith.constant 0 : index
    %get3A_16 = vector.load %arg6[%get3A_14, %get3A_15] : memref<1x768xf32, #tpu.memory_space<vmem>>, vector<1x768xf32>
    %reduce_sum3A = arith.constant dense<0.000000e+00> : vector<2048xf32>
    %reduce_sum3A_17 = vector.multi_reduction <add>, %add3A_10, %reduce_sum3A [1] : vector<2048x768xf32> to vector<2048xf32>
    %broadcast_in_dim3A = vector.shape_cast %reduce_sum3A_17 : vector<2048xf32> to vector<2048x1xf32>
    %div3A = arith.constant 7.680000e+02 : f32
    %div3A_18 = vector.broadcast %div3A : f32 to vector<2048x1xf32>
    %div3A_19 = arith.divf %broadcast_in_dim3A, %div3A_18 : vector<2048x1xf32>
    %sub3A = vector.broadcast %div3A_19 : vector<2048x1xf32> to vector<2048x768xf32>
    %sub3A_20 = arith.subf %add3A_10, %sub3A : vector<2048x768xf32>
    %mul3A = arith.mulf %sub3A_20, %sub3A_20 : vector<2048x768xf32>
    %reduce_sum3A_21 = arith.constant dense<0.000000e+00> : vector<2048xf32>
    %reduce_sum3A_22 = vector.multi_reduction <add>, %mul3A, %reduce_sum3A_21 [1] : vector<2048x768xf32> to vector<2048xf32>
    %broadcast_in_dim3A_23 = vector.shape_cast %reduce_sum3A_22 : vector<2048xf32> to vector<2048x1xf32>
    %div3A_24 = arith.constant 7.680000e+02 : f32
    %div3A_25 = vector.broadcast %div3A_24 : f32 to vector<2048x1xf32>
    %div3A_26 = arith.divf %broadcast_in_dim3A_23, %div3A_25 : vector<2048x1xf32>
    %add3A_27 = arith.constant 9.99999974E-6 : f32
    %add3A_28 = vector.broadcast %add3A_27 : f32 to vector<2048x1xf32>
    %add3A_29 = arith.addf %div3A_26, %add3A_28 : vector<2048x1xf32>
    %rsqrt3A = math.rsqrt %add3A_29 : vector<2048x1xf32>
    %mul3A_30 = vector.broadcast %rsqrt3A : vector<2048x1xf32> to vector<2048x768xf32>
    %mul3A_31 = arith.mulf %sub3A_20, %mul3A_30 : vector<2048x768xf32>
    %mul3A_32 = vector.broadcast %get3A_13 : vector<1x768xf32> to vector<2048x768xf32>
    %mul3A_33 = arith.mulf %mul3A_31, %mul3A_32 : vector<2048x768xf32>
    %add3A_34 = vector.broadcast %get3A_16 : vector<1x768xf32> to vector<2048x768xf32>
    %add3A_35 = arith.addf %mul3A_33, %add3A_34 : vector<2048x768xf32>
    %get3A_36 = arith.constant 0 : index
    %get3A_37 = arith.constant 0 : index
    %get3A_38 = vector.load %arg2[%get3A_36, %get3A_37] : memref<2048x1xi32, #tpu.memory_space<vmem>>, vector<2048x1xi32>
    %eq3A = arith.constant 1 : i32
    %eq3A_39 = vector.broadcast %eq3A : i32 to vector<2048x1xi32>
    %eq3A_40 = arith.cmpi eq, %get3A_38, %eq3A_39 : vector<2048x1xi32>
    %broadcast_in_dim3A_41 = vector.shape_cast %eq3A_40 : vector<2048x1xi1> to vector<2048x1xi1>
    %broadcast_in_dim3A_42 = vector.broadcast %broadcast_in_dim3A_41 : vector<2048x1xi1> to vector<2048x768xi1>
    %select_n3A = arith.select %broadcast_in_dim3A_42, %add3A_35, %get3A_1 : vector<2048x768xi1>, vector<2048x768xf32>
    %swap3A = arith.constant 0 : index
    %swap3A_43 = arith.constant 0 : index
    %swap3A_44 = vector.load %arg7[%swap3A, %swap3A_43] : memref<2048x768xf32, #tpu.memory_space<vmem>>, vector<2048x768xf32>
    tpu.vector_store %arg7[%swap3A, %swap3A_43], %select_n3A {strides = array<i32>} : memref<2048x768xf32, #tpu.memory_space<vmem>>, vector<2048x768xf32>,
    return
  }
  func.func @transform_0(%arg0: i32) -> (i32, i32) {
    %c0_i32 = arith.constant 0 : i32
    %c0_i32_0 = arith.constant 0 : i32
    return %arg0, %c0_i32 : i32, i32
  }
  func.func @transform_1(%arg0: i32) -> (i32, i32) {
    %c0_i32 = arith.constant 0 : i32
    %c0_i32_0 = arith.constant 0 : i32
    return %arg0, %c0_i32 : i32, i32
  }
  func.func @transform_2(%arg0: i32) -> (i32, i32) {
    %c0_i32 = arith.constant 0 : i32
    %c0_i32_0 = arith.constant 0 : i32
    %c0_i32_1 = arith.constant 0 : i32
    return %c0_i32, %c0_i32_0 : i32, i32
  }
  func.func @transform_3(%arg0: i32) -> (i32, i32) {
    %c0_i32 = arith.constant 0 : i32
    %c0_i32_0 = arith.constant 0 : i32
    %c0_i32_1 = arith.constant 0 : i32
    return %c0_i32, %c0_i32_0 : i32, i32
  }
  func.func @transform_4(%arg0: i32) -> (i32, i32) {
    %c0_i32 = arith.constant 0 : i32
    %c0_i32_0 = arith.constant 0 : i32
    %c0_i32_1 = arith.constant 0 : i32
    return %c0_i32, %c0_i32_0 : i32, i32
  }
  func.func @transform_5(%arg0: i32) -> (i32, i32) {
    %c0_i32 = arith.constant 0 : i32
    %c0_i32_0 = arith.constant 0 : i32
    %c0_i32_1 = arith.constant 0 : i32
    return %c0_i32, %c0_i32_0 : i32, i32
  }
  func.func @transform_6(%arg0: i32) -> (i32, i32) {
    %c0_i32 = arith.constant 0 : i32
    %c0_i32_0 = arith.constant 0 : i32
    return %arg0, %c0_i32 : i32, i32
  }
}

</mosaic_0001>

<sc_bundles>
// kernel: kernel.3.cloned.1.call-start
scs
__scs_entry_jumppad:
0x0: {  	(pc) =	sbr.rel $0x88, $3  }
0x1: {  	(tag) =	ssettag $0x0;
	lr =	simm.s32 $0x1  }
0x2: {  	[smem:$0x3F9B] =	sst lr;
	_ =	strace $0xD0000000  }
0x3: {  	_ = 	snop  }
0x4: {  	_ = 	snop  }
0x5: {  	_ = 	snop  }
0x6: {  	_ = 	snop  }
0x7: {  	_ = 	snop  }
__scs_overlays_trampoline_lowered:
0x8: {  	[smem:$0x3FAA] =	sst s0  }
0x9: {  	[smem:$0x3FAB] =	sst s1  }
0xa: {  	[smem:$0x3FAC] =	sst s2  }
0xb: {  	[smem:$0x3FAD] =	sst s3  }
0xc: {  	[smem:$0x3FAE] =	sst s4  }
0xd: {  	[smem:$0x3FAF] =	sst s5  }
0xe: {  	[smem:$0x3FB0] =	sst s6  }
0xf: {  	[smem:$0x3FB1] =	sst s7  }
0x10: {  	[smem:$0x3FB2] =	sst s8  }
0x11: {  	[smem:$0x3FB3] =	sst s9;
	s0 =	simm.s32 @!p0 $0x0  }
0x12: {  	s1 =	sld [smem:$0x3F99];
	s0 =	simm.s32 @p0 $0x1  }
0x13: {  	[smem:$0x3FB4] =	sst s0;
	s0 =	simm.s32 @!p1 $0x0  }
0x14: {  	s2 =	sld [smem:$0x3F98];
	s0 =	simm.s32 @p1 $0x1  }
0x15: {  	[smem:$0x3FB5] =	sst s0;
	s0 =	simm.s32 @!p2 $0x0  }
0x16: {  	s3 =	sld [smem:$0x3FDB];
	s0 =	simm.s32 @p2 $0x1  }
0x17: {  	s4 =	simm.s32 $0x1BF5;
	[smem:$0x3FB7] =	sst s0  }
0x18: {  	s0 =	sld [smem:$0x3F9A];
	_ =	swait.ge [sflag:s4], $0x0  }
0x19: {  	s7 =	sld [smem:$0x3F9B]  }
0x1a: {  	s8 =	sadd.s32 $0xFFFFE003, lr  }
0x1b: {  	s9 =	sadd.s32 $0xFFFFFEF7, lr;
	s5 =	simm.s32 $0xFFFFFFFF;
	p2 =	slt.u32 s8, $0xFFFFF086  }
0x1c: {  	p1 =	slt.u32 s9, $0xF7A;
	s5 =	simm.s32 @!p2 $0x0  }
0x1d: {  	s5 =	simm.s32 @p1 $0x1;
	p0 =	seq.s32 s7, s2  }
0x1e: {  	s7 =	smul.u32 @!p0 $0xF7A, s2;
	p2 =	seq.s32 @!p0 s5, $0x0  }
0x1f: {  	s9 =	smul.u32 $0xF7A, s1;
	s8 =	simm.s32 @!p0 $0x1BF5;
	p2 =	por !p2, p0  }
0x20: {  	[sflag:s8] =	ssyncset.s32 @!p0 $0xFFFFF086;
	s6 =	sadd.s32 @!p0 s3, s7;
	s7 =	simm.s32 @!p0 $0x108  }
0x21: {  	s3 =	sadd.s32 s3, s9;
	s6 =	sadd.s32 @!p0 $0x88, s6;
	s7 =	simm.s32 @p2 $0x1082  }
0x22: {  	[simem:s7], [sflag:s8] =	dma.local @!p0 [hbm:s6], $0xF7A  }
0x23: {  	s9 =	sor.u32 $0xD0000000, s2;
	s6 =	simm.s32 $0x108;
	_ =	swait.ge @!p0 [sflag:s8], $0x0  }
0x24: {  	s3 =	sadd.s32 $0x88, s3;
	s6 =	simm.s32 @!p1 $0x1082;
	[sflag:s4] =	ssyncset.s32 $0xFFFFF086  }
0x25: {  	[simem:s6], [sflag:s4] =	dma.local [hbm:s3], $0xF7A  }
0x26: {  	[smem:$0x3F9B] =	sst s1;
	(tag) =	ssettag s2;
	_ =	strace s9  }
0x27: {  	s1 =	sld [smem:$0x3FAB]  }
0x28: {  	s2 =	sld [smem:$0x3FAC]  }
0x29: {  	s4 =	sld [smem:$0x3FAE]  }
0x2a: {  	p0 =	seq.s32 s5, $0x0;
	s5 =	sld [smem:$0x3FAF]  }
0x2b: {  	s6 =	sld [smem:$0x3FB0]  }
0x2c: {  	s7 =	sld [smem:$0x3FB1]  }
0x2d: {  	s3 =	simm.s32 $0x108;
	s8 =	sld [smem:$0x3FB2]  }
0x2e: {  	s3 =	simm.s32 @!p0 $0x1082;
	s9 =	sld [smem:$0x3FB3]  }
0x2f: {  	lr =	sadd.s32 s0, s3;
	s0 =	sld [smem:$0x3FAA]  }
0x30: {  	s3 =	sld [smem:$0x3FAD]  }
0x31: {  	[smem:$0x3FB6] =	sst s10  }
0x32: {  	s10 =	sld [smem:$0x3FB4];
	_ =	sdelay $0x3  }
0x33: {  	p0 =	seq.s32 s10, $0x1;
	s10 =	sld [smem:$0x3FB6];
	_ =	sdelay $0x3  }
0x34: {  	[smem:$0x3FB6] =	sst s10  }
0x35: {  	s10 =	sld [smem:$0x3FB5];
	_ =	sdelay $0x3  }
0x36: {  	p1 =	seq.s32 s10, $0x1;
	s10 =	sld [smem:$0x3FB6];
	_ =	sdelay $0x3  }
0x37: {  	[smem:$0x3FB6] =	sst s10  }
0x38: {  	s10 =	sld [smem:$0x3FB7]  }
0x39: {  	_ = 	snop;
	(pc) =	sbr.ind lr, $3  }
0x3a: {  	_ = 	snop  }
0x3b: {  	_ = 	snop  }
0x3c: {  	p2 =	seq.s32 s10, $0x1;
	s10 =	sld [smem:$0x3FB6]  }
0x3d: {  	_ =	shalt  }
0x3e: {  	_ =	shalt  }
0x3f: {  	_ =	shalt  }
0x40: {  	_ =	shalt  }
0x41: {  	_ =	shalt  }
0x42: {  	_ =	shalt  }
0x43: {  	_ =	shalt  }
0x44: {  	_ =	shalt  }
0x45: {  	_ =	shalt  }
0x46: {  	_ =	shalt  }
0x47: {  	_ =	shalt  }
0x48: {  	_ =	shalt  }
0x49: {  	_ =	shalt  }
0x4a: {  	_ =	shalt  }
0x4b: {  	_ =	shalt  }
0x4c: {  	_ =	shalt  }
0x4d: {  	_ =	shalt  }
0x4e: {  	_ =	shalt  }
0x4f: {  	_ =	shalt  }
0x50: {  	_ =	shalt  }
0x51: {  	_ =	shalt  }
0x52: {  	_ =	shalt  }
0x53: {  	_ =	shalt  }
0x54: {  	_ =	shalt  }
0x55: {  	_ =	shalt  }
0x56: {  	_ =	shalt  }
0x57: {  	_ =	shalt  }
0x58: {  	_ =	shalt  }
0x59: {  	_ =	shalt  }
0x5a: {  	_ =	shalt  }
0x5b: {  	_ =	shalt  }
0x5c: {  	_ =	shalt  }
0x5d: {  	_ =	shalt  }
0x5e: {  	_ =	shalt  }
0x5f: {  	_ =	shalt  }
0x60: {  	_ =	shalt  }
0x61: {  	_ =	shalt  }
0x62: {  	_ =	shalt  }
0x63: {  	_ =	shalt  }
0x64: {  	_ =	shalt  }
0x65: {  	_ =	shalt  }
0x66: {  	_ =	shalt  }
0x67: {  	_ =	shalt  }
0x68: {  	_ =	shalt  }
0x69: {  	_ =	shalt  }
0x6a: {  	_ =	shalt  }
0x6b: {  	_ =	shalt  }
0x6c: {  	_ =	shalt  }
0x6d: {  	_ =	shalt  }
0x6e: {  	_ =	shalt  }
0x6f: {  	_ =	shalt  }
0x70: {  	_ =	shalt  }
0x71: {  	_ =	shalt  }
0x72: {  	_ =	shalt  }
0x73: {  	_ =	shalt  }
0x74: {  	_ =	shalt  }
0x75: {  	_ =	shalt  }
0x76: {  	_ =	shalt  }
0x77: {  	_ =	shalt  }
0x78: {  	_ =	shalt  }
0x79: {  	_ =	shalt  }
0x7a: {  	_ =	shalt  }
0x7b: {  	_ =	shalt  }
0x7c: {  	_ =	shalt  }
0x7d: {  	_ =	shalt  }
0x7e: {  	_ =	shalt  }
0x7f: {  	_ =	shalt  }
0x80: {  	_ =	shalt  }
0x81: {  	_ =	shalt  }
0x82: {  	_ =	shalt  }
0x83: {  	_ =	shalt  }
0x84: {  	_ =	shalt  }
0x85: {  	_ =	shalt  }
0x86: {  	_ =	shalt  }
0x87: {  	_ =	shalt  }
.Lfunc_end0:
.L_simem_size_0:
called_computation_lowered:
.L_overlay_start_0:
0x88: {  	s2 =	sld [smem:$0x3FD9]  }
0x89: {  	s3 =	sld [smem:$0x3FFE];
	_ =	sdelay $0x1  }
0x8a: {  	s1 =	srdreg.scid  }
0x8b: {  	s0 =	sand.u32 $0x1, s1  }
0x8c: {  	s17 =	sshll.u32 s0, $0xA;
	s2 =	sadd.s32 s3, s2  }
0x8d: {  	s2 =	sadd.s32 s2, s17  }
0x8e: {  	[smem:$0x3FC2] =	sst s2  }
0x8f: {  	_ = 	snop  }
0x90: {  	s2 =	sld [smem:$0x3FD0];
	(tm) =	ssettm $0x1  }
0x91: {  	s18 =	sld [smem:$0x3FFB];
	_ =	sdelay $0x3  }
0x92: {  	_ =	strace s18  }
0x93: {  	s3 =	sld [smem:$0x3FFC];
	_ =	sdelay $0x3  }
0x94: {  	_ =	strace s3  }
0x95: {  	s3 =	sld [smem:$0x3FFD];
	_ =	sdelay $0x3  }
0x96: {  	_ =	strace s3  }
0x97: {  	_ =	strace $0x8FFFFFFF  }
0x98: {  	s19 =	sld [smem:$0x3FDB];
	_ =	sdelay $0x1  }
0x99: {  	s4 =	simm.s32 $_scs_section_size  }
0x9a: {  	s5 =	simm.s32 $_size__tile_overlayer_lowered;
	s6 =	simm.s32 $_tile_overlayer_lowered  }
0x9b: {  	s22 =	simm.s32 $0x1BFF;
	s21 =	sshll.u32 s6, $0x1;
	s3 =	sadd.s32 s4, s19  }
0x9c: {  	s7 =	simm.s32 $0x0;
	s20 =	sshll.u32 s5, $0x1;
	s5 =	sadd.s32 s21, s3  }
0x9d: {  	[timem:s7], [sflag:s22] =	dma.local [hbm:s5], s20  }
0x9e: {  	_ =	swait.ge [sflag:s22], s20  }
0x9f: {  	s4 =	ssub.s32 $0x0, s20;
	[sflag:s22] =	ssyncset.done $0x0  }
0xa0: {  	[sflag:s22] =	ssyncadd.s32 s4;
	_ =	sdelay $0x1  }
0xa1: {  	s23 =	simm.s32 $0x1B8B  }
0xa2: {  	_ =	swait.ge [sflag:s23], $0x1  }
0xa3: {  	[sflag:s23] =	ssyncset.done $0x0  }
0xa4: {  	s25 =	simm.s32 $0x1B8E;
	s24 =	sld [smem:$0x3FFE];
	[sflag:s23] =	ssyncadd.s32 $0xFFFFFFFF  }
0xa5: {  	s26 =	simm.s32 $execute0_lowered;
	[smem:$0x3FD2] =	sst s25  }
0xa6: {  	s5 =	sshll.u32 s26, $0x1;
	_ =	strace $0x80000046;
	[dreg:$0x1] =	wrdreg $0xFFFFFFFF  }
0xa7: {  	s28 =	simm.s32 $_size_execute0_lowered;
	s3 =	sadd.s32 s3, s5;
	[dreg:$0x0] =	wrdreg $0x0  }
0xa8: {  	s5 =	sshll.u32 s28, $0x1;
	[dreg:$0x2] =	wrdreg s3  }
0xa9: {  	[dreg:$0x3] =	wrdreg s5  }
0xaa: {  	[dreg:$0x4] =	wrdreg $0xC0  }
0xab: {  	_ =	task [dreg:s7], $0x5FFFF  }
0xac: {  	[dreg:$0x1] =	wrdreg $0xFFFFFFFF  }
0xad: {  	[dreg:$0x0] =	wrdreg $0x60  }
0xae: {  	[dreg:$0x2] =	wrdreg s2  }
0xaf: {  	[dreg:$0x3] =	wrdreg s24  }
0xb0: {  	[dreg:$0x4] =	wrdreg $0x9  }
0xb1: {  	_ =	task.clear_ibuf [dreg:s7], $0x5FFFF;
	_ =	strace $0x90000046  }
0xb2: {  	s29 =	simm.s32 $0x9;
	_ =	strace $0x80000048  }
0xb3: {  	_ =	swait.ge [sflag:s29], $0x1  }
0xb4: {  	[sflag:s29] =	ssyncadd.s32 $0xFFFFFFFF  }
0xb5: {  	_ =	strace $0x90000048  }
0xb6: {  	_ =	sfence  }
0xb7: {  	s30 =	sld [smem:$0x0];
	_ =	sdelay $0x2  }
0xb8: {  	s31 =	sshll.u32 s1, $0xD;
	s1 =	sshrl.u32 s1, $0x2  }
0xb9: {  	s3 =	sand.u32 $0x4000, s31;
	s1 =	sadd.s32 s1, s30  }
0xba: {  	s0 =	sor.u32 s3, s0;
	s1 =	sshll.u32 s1, $0x11  }
0xbb: {  	s0 =	sor.u32 s1, s0  }
0xbc: {  	s0 =	sadd.s32 $0x8F2B, s0  }
0xbd: {  	[sflag:s0] =	ssyncadd.remote.s32 $0x1  }
0xbe: {  	_ =	sfence.sel $0xFFFF  }
0xbf: {  	[dreg:$0x0] =	wrdreg $0xFFFFFFFF;
	(pc) =	sbr.abs _section_cstart, $3  }
0xc0: {  	[dreg:$0x1] =	wrdreg $0xFFFFFFFF  }
0xc1: {  	_ =	task.clear_ibuf [dreg:s7], $0x2FFFF;
	_ =	strace $0x9FFFFFFF  }
0xc2: {  	(tm) =	ssettm $0x7FFFFFFF  }
0xc3: {  	_ =	shalt  }
tec
execute0_lowered:
.L_overlay_start_1:
0x0: {  	(tag) =	ssettag $0x1  }
0x1: {  	s3 =	rddreg [dreg:$0x0]  }
0x2: {  	s4 =	rddreg [dreg:$0x1]  }
0x3: {  	s0 =	rddreg [dreg:$0x2];
	s5 =	srdreg.scid  }
0x4: {  	s1 =	stileid.u32;
	s2 =	simm.s32 $0x0;
	s9 =	simm.s32 $0x480  }
0x5: {  	s10 =	simm.s32 $0x0;
	s5 =	sand.u32 $0x1, s5;
	s6 =	sshll.u32 s1, $0x1  }
0x6: {  	[smem:$0x7FF] =	sst s2;
	s6 =	sor.u32 s5, s6;
	s5 =	ssub.s32 $0x2, s5  }
0x7: {  	_ =	strace $0x80000047;
	s7 =	sshll.u32 s6, $0x4;
	s31 =	sshrl.u32 s5, $0x1  }
0x8: {  	s6 =	sshll.u32 s6, $0x7;
	s7 =	sadd.s32 s7, s4;
	s8 =	ssub.s32 s5, s31  }
0x9: {  	s3 =	sadd.s32 s3, s6;
	s4 =	sadd.s32 $0xA00, s7;
	s5 =	sadd.s32 $0xC00, s7  }
0xa: {  	v0 =	vimm.s32 $0x0;
	v1 =	vlaneseq.u32;
	s6 =	smax.u32 s8, $0x1;
	s7 =	simm.s32 $0x1;
	s8 =	simm.s32 $0x400  }
.LBB2_1:
0xb: {  	[tilespmem:s2], [sflag:$0x1] =	stream.linear.gather [hbm4b:s3+s2], $0x400, $0x38;
	[tilespmem:$0x500] =	vst v63  }
0xc: {  	_ =	swait.ge [sflag:s7], $0x400  }
0xd: {  	[sflag:s7] =	ssyncset.done $0x0  }
0xe: {  	[sflag:s7] =	ssyncadd.s32 $0xFFFFFC00  }
0xf: {  	[tilespmem:$0x400] =	vst v0  }
0x10: {  	[tilespmem:$0x410] =	vst v0  }
0x11: {  	[tilespmem:$0x420] =	vst v0  }
0x12: {  	[tilespmem:$0x430] =	vst v0  }
0x13: {  	[tilespmem:$0x440] =	vst v0  }
0x14: {  	[tilespmem:$0x450] =	vst v0  }
0x15: {  	[tilespmem:$0x460] =	vst v0  }
0x16: {  	s11 =	simm.s32 $0xFFFFFFFC;
	s12 =	simm.s32 $0x20;
	s13 =	simm.s32 $0x0;
	v2 =	vimm.s32 $0x0;
	[tilespmem:$0x470] =	vst v0  }
.LBB2_2:
0x17: {  	v3 =	vld [tilespmem:s12+$0xFFFFFFE0];
	_ =	sdelay $0x4  }
0x18: {  	vm0 =	veq.s32 v3, $0x1  }
0x19: {  	v3 =	vsel vm0, $0x1, v0  }
0x1a: {  	(xrf0) =	vadd.scan.msk.s32 $0xffff, v3;
	_ =	sdelay $0x5  }
0x1b: {  	v3, _, _ =	vpop (xrf0)  }
0x1c: {  	v3 =	vadd.s32 v3, v2  }
0x1d: {  	v3 =	vadd.s32 $0xFFFFFFFF, v3  }
0x1e: {  	vm1 =	vlt.s32 v3, $0x80  }
0x1f: {  	vm2 =	vlt.s32 v3, $0x7F;
	vm1 =	vmand vm0, vm1  }
0x20: {  	v3 =	vnsel vm2, $0x7F, v3;
	_ =	sdelay $0x3  }
0x21: {  	v4 =	vor.u32 s13, v1  }
0x22: {  	[tilespmem:v3+s8+$0x0] =	vst.idx.msk vm1, v4  }
0x23: {  	v3 =	vld [tilespmem:s12+$0xFFFFFFF0];
	_ =	sdelay $0x4  }
0x24: {  	vm7 =	veq.s32 v3, $0x1  }
0x25: {  	v3 =	vsel vm7, $0x1, v0  }
0x26: {  	(xrf0) =	vadd.scan.msk.s32 $0xffff, v3;
	_ =	sdelay $0x1  }
0x27: {  	v3 =	vmpcnt.ones.xlane vm0;
	_ =	sdelay $0x3  }
0x28: {  	v2 =	vadd.s32 v2, v3;
	v3, _, _ =	vpop (xrf0)  }
0x29: {  	v3 =	vadd.s32 v3, v2  }
0x2a: {  	v3 =	vadd.s32 $0xFFFFFFFF, v3  }
0x2b: {  	vm8 =	vlt.s32 v3, $0x80  }
0x2c: {  	vm9 =	vlt.s32 v3, $0x7F;
	vm0 =	vmand vm7, vm8  }
0x2d: {  	v3 =	vnsel vm9, $0x7F, v3;
	_ =	sdelay $0x2  }
0x2e: {  	s14 =	sadd.s32 $0x10, s13  }
0x2f: {  	v61 =	vor.u32 s14, v1  }
0x30: {  	[tilespmem:v3+s8+$0x0] =	vst.idx.msk vm0, v61  }
0x31: {  	v3 =	vld [tilespmem:s12+$0x0];
	_ =	sdelay $0x4  }
0x32: {  	vm10 =	veq.s32 v3, $0x1  }
0x33: {  	v3 =	vsel vm10, $0x1, v0  }
0x34: {  	(xrf0) =	vadd.scan.msk.s32 $0xffff, v3;
	_ =	sdelay $0x1  }
0x35: {  	v3 =	vmpcnt.ones.xlane vm7;
	_ =	sdelay $0x3  }
0x36: {  	v2 =	vadd.s32 v2, v3;
	v3, _, _ =	vpop (xrf0)  }
0x37: {  	v3 =	vadd.s32 v3, v2  }
0x38: {  	v3 =	vadd.s32 $0xFFFFFFFF, v3  }
0x39: {  	vm11 =	vlt.s32 v3, $0x80  }
0x3a: {  	vm12 =	vlt.s32 v3, $0x7F;
	vm1 =	vmand vm10, vm11  }
0x3b: {  	v3 =	vnsel vm12, $0x7F, v3;
	_ =	sdelay $0x2  }
0x3c: {  	s30 =	sadd.s32 $0x20, s13  }
0x3d: {  	v62 =	vor.u32 s30, v1  }
0x3e: {  	[tilespmem:v3+s8+$0x0] =	vst.idx.msk vm1, v62  }
0x3f: {  	v3 =	vld [tilespmem:s12+$0x10];
	_ =	sdelay $0x4  }
0x40: {  	vm13 =	veq.s32 v3, $0x1  }
0x41: {  	v3 =	vsel vm13, $0x1, v0  }
0x42: {  	(xrf0) =	vadd.scan.msk.s32 $0xffff, v3;
	_ =	sdelay $0x1  }
0x43: {  	v3 =	vmpcnt.ones.xlane vm10;
	_ =	sdelay $0x3  }
0x44: {  	v2 =	vadd.s32 v2, v3;
	v3, _, _ =	vpop (xrf0)  }
0x45: {  	v3 =	vadd.s32 v3, v2  }
0x46: {  	v3 =	vadd.s32 $0xFFFFFFFF, v3  }
0x47: {  	vm14 =	vlt.s32 v3, $0x80  }
0x48: {  	s11 =	sadd.s32 $0x4, s11;
	vm15 =	vlt.s32 v3, $0x7F;
	vm0 =	vmand vm13, vm14  }
0x49: {  	p0 =	slt.u32 s11, $0x3C;
	v3 =	vnsel vm15, $0x7F, v3  }
.Ltmp0:
0x4a: {  	_ = 	snop;
	(pc) =	sbr.rel @p0 .LBB2_2-.Ltmp0, $4  }
0x4b: {  	_ = 	snop  }
0x4c: {  	s31 =	sadd.s32 $0x30, s13;
	v63 =	vmpcnt.ones.xlane vm13  }
0x4d: {  	v5 =	vor.u32 s31, v1  }
0x4e: {  	s13 =	sadd.s32 $0x40, s13;
	s12 =	sadd.s32 $0x40, s12;
	v2 =	vadd.s32 v2, v63;
	[tilespmem:v3+s8+$0x0] =	vst.idx.msk vm0, v5  }
0x4f: {  	[hbm4b:s4+s2] =	stream.linear.scatter [tilespmem:s8], [sflag:$0x1], $0x80, $0x38;
	[tilespmem:$0x500] =	vst v63  }
0x50: {  	_ =	swait.ge [sflag:s7], $0x80  }
0x51: {  	s10 =	sadd.s32 $0x1, s10;
	[sflag:s7] =	ssyncset.done $0x0  }
0x52: {  	p0 =	sne.s32 s10, s6;
	[sflag:s7] =	ssyncadd.s32 $0xFFFFFF80  }
.Ltmp1:
0x53: {  	[tilespmem:$0x480] =	vst v2;
	(pc) =	sbr.rel @p0 .LBB2_1-.Ltmp1, $4  }
0x54: {  	[hbm4b:s5+s2] =	stream.linear.scatter [tilespmem:s9], [sflag:$0x1], $0x80, $0x38;
	[tilespmem:$0x500] =	vst v63  }
0x55: {  	_ =	swait.ge [sflag:s7], $0x80  }
0x56: {  	[sflag:s7] =	ssyncset.done $0x0  }
0x57: {  	[sflag:s7] =	ssyncadd.s32 $0xFFFFFF80  }
0x58: {  	_ =	sfence.sel $0x180000  }
0x59: {  	[bflag:$0x0] =	sbarrier.arrive $0xFFFF  }
0x5a: {  	p0 =	sne.s32 s1, $0x0;
	_ =	strace $0x90000047  }
0x5b: {  	s0 =	sadd.s32 @!p0 $0x100000, s0;
	[bflag:$0x2] =	sbarrier.arrive $0xFFFF  }
0x5c: {  	[sflag:s0] =	ssyncadd.tile.s32 @!p0 $0x1;
	_ =	shalt  }
.Lfunc_end2:
_tile_overlayer_lowered:
.L_overlay_start_2:
0x5d: {  	(tag) =	ssettag $0x2  }
0x5e: {  	s0 =	rddreg [dreg:$0x0];
	s2 =	stileid.u32  }
0x5f: {  	s1 =	rddreg [dreg:$0x1];
	p0 =	sne.s32 s2, $0x0  }
0x60: {  	s3 =	rddreg [dreg:$0x2];
	[bflag:$0x3] =	sbarrier.arrive $0xFFFF;
	s2 =	simm.s32 @!p0 $0x1C01  }
0x61: {  	[timem:s3], [sflag:s2] =	dma.local @!p0 [hbm:s0], s1  }
0x62: {  	s0 =	simm.s32 @!p0 $0x1  }
0x63: {  	_ =	swait.ge @!p0 [sflag:s0], s1  }
0x64: {  	s1 =	ssub.s32 @!p0 $0x0, s1;
	[sflag:s0] =	ssyncset.done @!p0 $0x0  }
0x65: {  	[sflag:s0] =	ssyncadd.s32 @!p0 s1  }
0x66: {  	[bflag:$0x3] =	sbarrier.arrive $0xFFFF  }
0x67: {  	_ =	shalt  }

</sc_bundles>
